<compile_context>
chip_gen: v7x
topology: tpu7x:2x2x1
jax: 0.10.2.dev20260603
libtpu: 0.0.44.dev20260713+nightly
codegen_flags: <defaults>
</compile_context>

<pallas_src>
import functools

import jax
import jax.numpy as jnp
from jax import lax
from jax.experimental import pallas as pl
from jax.experimental.pallas import tpu as pltpu
from jax.experimental.pallas import tpu_sc as plsc


def _make_sc_scatter(E, N, FE, C=80, CW=8):
    info = plsc.get_sparse_core_info()
    NC, NS = info.num_cores, info.num_subcores
    NW = NC * NS
    n_chunks = E // C
    per_tile = n_chunks // NW
    rows = N // NS
    mesh = plsc.VectorSubcoreMesh(core_axis_name="c", subcore_axis_name="s")

    @functools.partial(
        pl.kernel,
        mesh=mesh,
        compiler_params=pltpu.CompilerParams(use_tc_tiling_on_sc=False),
        out_type=[
            jax.ShapeDtypeStruct((NC, N, FE), jnp.float32),
            jax.ShapeDtypeStruct((NC, N, CW), jnp.float32),
        ],
        scratch_types=[
            pltpu.VMEM((2, C, FE), jnp.float32),
            pltpu.VMEM((2, C), jnp.int32),
            pltpu.VMEM((C, CW), jnp.float32),
            pltpu.VMEM_SHARED((N, FE), jnp.float32),
            pltpu.VMEM_SHARED((N, CW), jnp.float32),
            pltpu.SemaphoreType.DMA((2,)),
            pltpu.SemaphoreType.DMA,
            pltpu.SemaphoreType.DMA,
        ],
    )
    def sc_scatter(attr_hbm, ei_hbm, zeros_hbm, zeros_c_hbm, ones_hbm,
                   psum_hbm, pcnt_hbm,
                   attr_v, idx_v, ones_v, sum_sh, cnt_sh,
                   lsem, ssem, csem):
        cid = lax.axis_index("c")
        sid = lax.axis_index("s")
        wid = sid * NC + cid
        base = sid * rows

        def start_loads(chunk_i, b):
            off = (wid * per_tile + chunk_i) * C
            pltpu.make_async_copy(
                ei_hbm.at[1, pl.ds(off, C)], idx_v.at[b], lsem.at[b]).start()
            pltpu.make_async_copy(
                attr_hbm.at[pl.ds(off, C)], attr_v.at[b], lsem.at[b]).start()

        def wait_loads(chunk_i, b):
            off = (wid * per_tile + chunk_i) * C
            pltpu.make_async_copy(
                ei_hbm.at[1, pl.ds(off, C)], idx_v.at[b], lsem.at[b]).wait()
            pltpu.make_async_copy(
                attr_hbm.at[pl.ds(off, C)], attr_v.at[b], lsem.at[b]).wait()

        pltpu.sync_copy(zeros_hbm.at[pl.ds(base, rows)],
                        sum_sh.at[pl.ds(base, rows)])
        pltpu.sync_copy(zeros_c_hbm.at[pl.ds(base, rows)],
                        cnt_sh.at[pl.ds(base, rows)])
        pltpu.sync_copy(ones_hbm, ones_v)
        plsc.subcore_barrier()
        start_loads(0, 0)

        def body(i, carry):
            b = lax.rem(i, 2)
            wait_loads(i, b)

            @pl.when(i + 1 < per_tile)
            def _():
                start_loads(i + 1, 1 - b)

            ds = pltpu.make_async_copy(attr_v.at[b], sum_sh.at[idx_v.at[b]],
                                       ssem)
            ds.start(add=True)
            dc = pltpu.make_async_copy(ones_v, cnt_sh.at[idx_v.at[b]], csem)
            dc.start(add=True)
            ds.wait()
            dc.wait()
            return carry

        lax.fori_loop(0, per_tile, body, None)
        plsc.subcore_barrier()
        pltpu.sync_copy(sum_sh.at[pl.ds(base, rows)],
                        psum_hbm.at[cid, pl.ds(base, rows)])
        pltpu.sync_copy(cnt_sh.at[pl.ds(base, rows)],
                        pcnt_hbm.at[cid, pl.ds(base, rows)])

    return sc_scatter


def _dense_partial(x, a, u, W, b, batch3, blk=1000):
    N, FX = x.shape
    Bu, FU = u.shape
    FOUT = W.shape[1]
    FE = W.shape[0] - 2 * FX - FU
    nblk = N // blk

    def body(x_ref, a_ref, u_ref, w_ref, b_ref, bt_ref, o_ref):
        bv = bt_ref[0, 0, :]
        oh = (bv[:, None] == lax.broadcasted_iota(jnp.int32, (blk, Bu), 1)
              ).astype(jnp.float32)
        uw = jnp.dot(u_ref[...], w_ref[2 * FX + FE:, :],
                     preferred_element_type=jnp.float32)
        acc = jnp.dot(x_ref[...], w_ref[0:FX, :],
                      preferred_element_type=jnp.float32)
        acc += jnp.dot(a_ref[...], w_ref[FX:2 * FX, :],
                       preferred_element_type=jnp.float32)
        acc += jnp.dot(oh, uw, preferred_element_type=jnp.float32)
        o_ref[...] = acc + b_ref[...][None, :]

    return pl.pallas_call(
        body,
        grid=(nblk,),
        in_specs=[
            pl.BlockSpec((blk, FX), lambda i: (i, 0)),
            pl.BlockSpec((blk, FX), lambda i: (i, 0)),
            pl.BlockSpec((Bu, FU), lambda i: (0, 0)),
            pl.BlockSpec(W.shape, lambda i: (0, 0)),
            pl.BlockSpec(b.shape, lambda i: (0,)),
            pl.BlockSpec((1, 1, blk), lambda i: (i, 0, 0)),
        ],
        out_specs=pl.BlockSpec((blk, FOUT), lambda i: (i, 0)),
        out_shape=jax.ShapeDtypeStruct((N, FOUT), jnp.float32),
    )(x, a, u, W, b, batch3)


def _dense_final(partial, psum, pcnt, W, blk=1000):
    N, FOUT = partial.shape
    FE = psum.shape[-1]
    CW = pcnt.shape[-1]
    FX = (W.shape[0] - FE - 64) // 2
    nblk = N // blk

    def body(p_ref, ps_ref, pc_ref, w_ref, o_ref):
        s = ps_ref[0] + ps_ref[1]
        cnt = pc_ref[0][:, 0:1] + pc_ref[1][:, 0:1]
        eagg = s / jnp.maximum(cnt, 1.0)
        acc = p_ref[...] + jnp.dot(eagg, w_ref[2 * FX:2 * FX + FE, :],
                                   preferred_element_type=jnp.float32)
        o_ref[...] = jnp.maximum(acc, 0.0)

    return pl.pallas_call(
        body,
        grid=(nblk,),
        in_specs=[
            pl.BlockSpec((blk, FOUT), lambda i: (i, 0)),
            pl.BlockSpec((2, blk, FE), lambda i: (0, i, 0)),
            pl.BlockSpec((2, blk, CW), lambda i: (0, i, 0)),
            pl.BlockSpec(W.shape, lambda i: (0, 0)),
        ],
        out_specs=pl.BlockSpec((blk, FOUT), lambda i: (i, 0)),
        out_shape=jax.ShapeDtypeStruct((N, FOUT), jnp.float32),
    )(partial, psum, pcnt, W)


def kernel(x, a, edge_attr, u, W, b, edge_index, batch):
    E, FE = edge_attr.shape
    N = x.shape[0]
    C = 80
    CW = 8
    info = plsc.get_sparse_core_info()
    align = info.num_subcores * 8
    n_pad = ((N + align - 1) // align) * align
    zeros = jnp.zeros((n_pad, FE), dtype=jnp.float32)
    zeros_c = jnp.zeros((n_pad, CW), dtype=jnp.float32)
    ones = jnp.ones((C, CW), dtype=jnp.float32)
    psum, pcnt = _make_sc_scatter(E, n_pad, FE, C, CW)(
        edge_attr, edge_index, zeros, zeros_c, ones)
    batch3 = batch.reshape(N // 1000, 1, 1000)
    part = _dense_partial(x, a, u, W, b, batch3, blk=1000)
    return _dense_final(part, psum, pcnt, W, blk=1000)

# --- scband reference (transcript-rebuilt; emitter-appended) ---
"""Pipeline reference for scband-cosine-sim-node-model-24472723652614 (READ-ONLY COPY).

The authoritative reference and input builder live on the scoring server;
editing this copy changes nothing except your own understanding.
"""

import jax, jax.numpy as jnp
import numpy as np

N = 10000
E = 320000
FX = 128
FE = 16
FU = 64
B = 64
FOUT = 128
FIN = FE + 2 * FX + FU  # 336


def setup_inputs(seed: int = 0) -> dict:
    key = jax.random.key(seed)
    ks = jax.random.split(key, 8)
    x = jax.random.normal(ks[0], (N, FX), dtype=jnp.float32)
    a = jax.random.normal(ks[1], (N, FX), dtype=jnp.float32)
    edge_index = jax.random.randint(ks[2], (2, E), 0, N, dtype=jnp.int32)
    edge_attr = jax.random.normal(ks[3], (E, FE), dtype=jnp.float32)
    u = jax.random.normal(ks[4], (B, FU), dtype=jnp.float32)
    batch = jnp.sort(jax.random.randint(ks[5], (N,), 0, B, dtype=jnp.int32))
    # learned params of phi_x = Linear(FIN, FOUT) followed by ReLU
    W = jax.random.normal(ks[6], (FIN, FOUT), dtype=jnp.float32) * 0.05
    b = jnp.zeros((FOUT,), dtype=jnp.float32)
    return {"x": x, "a": a, "edge_attr": edge_attr, "u": u, "W": W, "b": b,
            "edge_index": edge_index, "batch": batch}


def reference(x, a, edge_attr, u, W, b, edge_index, batch):
    dest = edge_index[1]
    # scatter_mean(edge_attr, dest, dim=0) with dim_size = N
    sums = jax.ops.segment_sum(edge_attr, dest, num_segments=N)
    counts = jax.ops.segment_sum(jnp.ones((E, 1), dtype=edge_attr.dtype), dest, num_segments=N)
    e_agg_node = sums / jnp.clip(counts, 1.0, None)
    out = jnp.concatenate([x, a, e_agg_node, u[batch]], axis=1)
    # phi_x: Linear + ReLU
    return jax.nn.relu(out @ W + b)

if __name__ == "__main__":
    import jax
    _d = setup_inputs()
    print(jax.jit(kernel)(*tuple(_d.values())))

</pallas_src>

<mosaic_0001>
#map = affine_map<(d0, d1) -> (0, 0)>
#map1 = affine_map<(d0, d1) -> (0, 0, 0)>
module attributes {stable_mosaic.version = 14 : i64} {
  func.func @sc_scatter(%arg0: i32, %arg1: i32, %arg2: memref<320000x16xf32, #tpu.memory_space<hbm>>, %arg3: memref<2x320000xi32, #tpu.memory_space<hbm>>, %arg4: memref<10112x16xf32, #tpu.memory_space<hbm>>, %arg5: memref<10112x8xf32, #tpu.memory_space<hbm>>, %arg6: memref<80x8xf32, #tpu.memory_space<hbm>>, %arg7: memref<2x10112x16xf32, #tpu.memory_space<hbm>>, %arg8: memref<2x10112x8xf32, #tpu.memory_space<hbm>>, %arg9: memref<2x80x16xf32, #tpu.memory_space<vmem>>, %arg10: memref<2x80xi32, #tpu.memory_space<vmem>>, %arg11: memref<80x8xf32, #tpu.memory_space<vmem>>, %arg12: memref<10112x16xf32, #tpu.memory_space<vmem_shared>>, %arg13: memref<10112x8xf32, #tpu.memory_space<vmem_shared>>, %arg14: memref<2x!tpu.dma_semaphore, #tpu.memory_space<semaphore_mem>>, %arg15: memref<!tpu.dma_semaphore, #tpu.memory_space<semaphore_mem>>, %arg16: memref<!tpu.dma_semaphore, #tpu.memory_space<semaphore_mem>>) attributes {dimension_semantics = [#tpu.dimension_semantics<core_parallel>, #tpu.dimension_semantics<subcore_parallel>], iteration_bounds = array<i64: 2, 16>, scalar_prefetch = 0 : i64, scratch_operands = 8 : i64, tpu.core_type = #tpu.core_type<sc_vector_subcore>, window_params = [{transform_indices = #map}, {transform_indices = #map}, {transform_indices = #map}, {transform_indices = #map}, {transform_indices = #map}, {transform_indices = #map1}, {transform_indices = #map1}]} {
    %mul3A = arith.constant 2 : i32
    %mul3A_0 = arith.muli %arg1, %mul3A : i32
    %add3A = arith.addi %mul3A_0, %arg0 : i32
    %mul3A_1 = arith.constant 632 : i32
    %mul3A_2 = arith.muli %arg1, %mul3A_1 : i32
    "tpu.region"() ({
      %run_scoped3A = tpu.sem_alloc : memref<!tpu.dma_semaphore, #tpu.memory_space<semaphore_mem>>
      %dma_start3A_44 = arith.constant 0 : i32
      %dma_start3A_45 = tpu.memref_slice %arg12[%mul3A_2, %dma_start3A_44] : memref<10112x16xf32, #tpu.memory_space<vmem_shared>> -> memref<632x16xf32, #tpu.memory_space<vmem_shared>>
      %dma_start3A_46 = arith.constant 0 : i32
      %dma_start3A_47 = tpu.memref_slice %arg4[%mul3A_2, %dma_start3A_46] : memref<10112x16xf32, #tpu.memory_space<hbm>> -> memref<632x16xf32, #tpu.memory_space<hbm>>
      tpu.enqueue_dma source(%dma_start3A_47 : memref<632x16xf32, #tpu.memory_space<hbm>>) target(%dma_start3A_45 : memref<632x16xf32, #tpu.memory_space<vmem_shared>>) target_semaphore(%run_scoped3A : memref<!tpu.dma_semaphore, #tpu.memory_space<semaphore_mem>>)
      %dma_wait3A = arith.constant 0 : i32
      %dma_wait3A_48 = tpu.memref_slice %arg12[%mul3A_2, %dma_wait3A] : memref<10112x16xf32, #tpu.memory_space<vmem_shared>> -> memref<632x16xf32, #tpu.memory_space<vmem_shared>>
      %dma_wait3A_49 = arith.constant 0 : i32
      %dma_wait3A_50 = tpu.memref_slice %arg4[%mul3A_2, %dma_wait3A_49] : memref<10112x16xf32, #tpu.memory_space<hbm>> -> memref<632x16xf32, #tpu.memory_space<hbm>>
      tpu.wait_dma2 semaphore(%run_scoped3A : memref<!tpu.dma_semaphore, #tpu.memory_space<semaphore_mem>>) src(%dma_wait3A_50 : memref<632x16xf32, #tpu.memory_space<hbm>>) dst(%dma_wait3A_48 : memref<632x16xf32, #tpu.memory_space<vmem_shared>>)
      tpu.yield
    }) : () -> ()
    "tpu.region"() ({
      %run_scoped3A = tpu.sem_alloc : memref<!tpu.dma_semaphore, #tpu.memory_space<semaphore_mem>>
      %dma_start3A_44 = arith.constant 0 : i32
      %dma_start3A_45 = tpu.memref_slice %arg13[%mul3A_2, %dma_start3A_44] : memref<10112x8xf32, #tpu.memory_space<vmem_shared>> -> memref<632x8xf32, #tpu.memory_space<vmem_shared>>
      %dma_start3A_46 = arith.constant 0 : i32
      %dma_start3A_47 = tpu.memref_slice %arg5[%mul3A_2, %dma_start3A_46] : memref<10112x8xf32, #tpu.memory_space<hbm>> -> memref<632x8xf32, #tpu.memory_space<hbm>>
      tpu.enqueue_dma source(%dma_start3A_47 : memref<632x8xf32, #tpu.memory_space<hbm>>) target(%dma_start3A_45 : memref<632x8xf32, #tpu.memory_space<vmem_shared>>) target_semaphore(%run_scoped3A : memref<!tpu.dma_semaphore, #tpu.memory_space<semaphore_mem>>)
      %dma_wait3A = arith.constant 0 : i32
      %dma_wait3A_48 = tpu.memref_slice %arg13[%mul3A_2, %dma_wait3A] : memref<10112x8xf32, #tpu.memory_space<vmem_shared>> -> memref<632x8xf32, #tpu.memory_space<vmem_shared>>
      %dma_wait3A_49 = arith.constant 0 : i32
      %dma_wait3A_50 = tpu.memref_slice %arg5[%mul3A_2, %dma_wait3A_49] : memref<10112x8xf32, #tpu.memory_space<hbm>> -> memref<632x8xf32, #tpu.memory_space<hbm>>
      tpu.wait_dma2 semaphore(%run_scoped3A : memref<!tpu.dma_semaphore, #tpu.memory_space<semaphore_mem>>) src(%dma_wait3A_50 : memref<632x8xf32, #tpu.memory_space<hbm>>) dst(%dma_wait3A_48 : memref<632x8xf32, #tpu.memory_space<vmem_shared>>)
      tpu.yield
    }) : () -> ()
    "tpu.region"() ({
      %run_scoped3A = tpu.sem_alloc : memref<!tpu.dma_semaphore, #tpu.memory_space<semaphore_mem>>
      tpu.enqueue_dma source(%arg6 : memref<80x8xf32, #tpu.memory_space<hbm>>) target(%arg11 : memref<80x8xf32, #tpu.memory_space<vmem>>) target_semaphore(%run_scoped3A : memref<!tpu.dma_semaphore, #tpu.memory_space<semaphore_mem>>)
      tpu.wait_dma2 semaphore(%run_scoped3A : memref<!tpu.dma_semaphore, #tpu.memory_space<semaphore_mem>>) src(%arg6 : memref<80x8xf32, #tpu.memory_space<hbm>>) dst(%arg11 : memref<80x8xf32, #tpu.memory_space<vmem>>)
      tpu.yield
    }) : () -> ()
    %barrier3A = arith.constant 0 : index
    tpu.barrier barrier_id(%barrier3A)
    %mul3A_3 = arith.constant 125 : i32
    %mul3A_4 = arith.muli %add3A, %mul3A_3 : i32
    %add3A_5 = arith.constant 0 : i32
    %add3A_6 = arith.addi %mul3A_4, %add3A_5 : i32
    %mul3A_7 = arith.constant 80 : i32
    %mul3A_8 = arith.muli %add3A_6, %mul3A_7 : i32
    %dma_start3A = arith.constant 1 : i32
    %dma_start3A_9 = arith.constant 0 : i32
    %dma_start3A_10 = arith.constant 0 : i32
    %dma_start3A_11 = arith.constant 0 : i32
    %dma_start3A_12 = tpu.memref_slice %arg10[%dma_start3A_9, %dma_start3A_11] : memref<2x80xi32, #tpu.memory_space<vmem>> -> memref<1x80xi32, #tpu.memory_space<vmem>>
    %dma_start3A_13 = tpu.memref_squeeze %dma_start3A_12 : memref<1x80xi32, #tpu.memory_space<vmem>> -> memref<80xi32, #tpu.memory_space<vmem>>
    %dma_start3A_14 = tpu.memref_slice %arg3[%dma_start3A, %mul3A_8] : memref<2x320000xi32, #tpu.memory_space<hbm>> -> memref<1x80xi32, #tpu.memory_space<hbm>>
    %dma_start3A_15 = tpu.memref_squeeze %dma_start3A_14 : memref<1x80xi32, #tpu.memory_space<hbm>> -> memref<80xi32, #tpu.memory_space<hbm>>
    %dma_start3A_16 = tpu.memref_slice %arg14[%dma_start3A_10] : memref<2x!tpu.dma_semaphore, #tpu.memory_space<semaphore_mem>> -> memref<1x!tpu.dma_semaphore, #tpu.memory_space<semaphore_mem>>
    %dma_start3A_17 = tpu.memref_squeeze %dma_start3A_16 : memref<1x!tpu.dma_semaphore, #tpu.memory_space<semaphore_mem>> -> memref<!tpu.dma_semaphore, #tpu.memory_space<semaphore_mem>>
    %dma_start3A_18 = arith.constant 0 : i32
    %dma_start3A_19 = tpu.memref_slice %arg10[%dma_start3A_9, %dma_start3A_18] : memref<2x80xi32, #tpu.memory_space<vmem>> -> memref<1x80xi32, #tpu.memory_space<vmem>>
    %dma_start3A_20 = tpu.memref_squeeze %dma_start3A_19 : memref<1x80xi32, #tpu.memory_space<vmem>> -> memref<80xi32, #tpu.memory_space<vmem>>
    %dma_start3A_21 = tpu.memref_slice %arg3[%dma_start3A, %mul3A_8] : memref<2x320000xi32, #tpu.memory_space<hbm>> -> memref<1x80xi32, #tpu.memory_space<hbm>>
    %dma_start3A_22 = tpu.memref_squeeze %dma_start3A_21 : memref<1x80xi32, #tpu.memory_space<hbm>> -> memref<80xi32, #tpu.memory_space<hbm>>
    tpu.enqueue_dma source(%dma_start3A_22 : memref<80xi32, #tpu.memory_space<hbm>>) target(%dma_start3A_20 : memref<80xi32, #tpu.memory_space<vmem>>) target_semaphore(%dma_start3A_17 : memref<!tpu.dma_semaphore, #tpu.memory_space<semaphore_mem>>)
    %dma_start3A_23 = arith.constant 0 : i32
    %dma_start3A_24 = arith.constant 0 : i32
    %dma_start3A_25 = arith.constant 0 : i32
    %dma_start3A_26 = arith.constant 0 : i32
    %dma_start3A_27 = tpu.memref_slice %arg9[%dma_start3A_23, %dma_start3A_25, %dma_start3A_26] : memref<2x80x16xf32, #tpu.memory_space<vmem>> -> memref<1x80x16xf32, #tpu.memory_space<vmem>>
    %dma_start3A_28 = tpu.memref_squeeze %dma_start3A_27 : memref<1x80x16xf32, #tpu.memory_space<vmem>> -> memref<80x16xf32, #tpu.memory_space<vmem>>
    %dma_start3A_29 = arith.constant 0 : i32
    %dma_start3A_30 = tpu.memref_slice %arg2[%mul3A_8, %dma_start3A_29] : memref<320000x16xf32, #tpu.memory_space<hbm>> -> memref<80x16xf32, #tpu.memory_space<hbm>>
    %dma_start3A_31 = tpu.memref_slice %arg14[%dma_start3A_24] : memref<2x!tpu.dma_semaphore, #tpu.memory_space<semaphore_mem>> -> memref<1x!tpu.dma_semaphore, #tpu.memory_space<semaphore_mem>>
    %dma_start3A_32 = tpu.memref_squeeze %dma_start3A_31 : memref<1x!tpu.dma_semaphore, #tpu.memory_space<semaphore_mem>> -> memref<!tpu.dma_semaphore, #tpu.memory_space<semaphore_mem>>
    %dma_start3A_33 = arith.constant 0 : i32
    %dma_start3A_34 = arith.constant 0 : i32
    %dma_start3A_35 = tpu.memref_slice %arg9[%dma_start3A_23, %dma_start3A_33, %dma_start3A_34] : memref<2x80x16xf32, #tpu.memory_space<vmem>> -> memref<1x80x16xf32, #tpu.memory_space<vmem>>
    %dma_start3A_36 = tpu.memref_squeeze %dma_start3A_35 : memref<1x80x16xf32, #tpu.memory_space<vmem>> -> memref<80x16xf32, #tpu.memory_space<vmem>>
    %dma_start3A_37 = arith.constant 0 : i32
    %dma_start3A_38 = tpu.memref_slice %arg2[%mul3A_8, %dma_start3A_37] : memref<320000x16xf32, #tpu.memory_space<hbm>> -> memref<80x16xf32, #tpu.memory_space<hbm>>
    tpu.enqueue_dma source(%dma_start3A_38 : memref<80x16xf32, #tpu.memory_space<hbm>>) target(%dma_start3A_36 : memref<80x16xf32, #tpu.memory_space<vmem>>) target_semaphore(%dma_start3A_32 : memref<!tpu.dma_semaphore, #tpu.memory_space<semaphore_mem>>)
    %scan3A = arith.constant 0 : i32
    %scan3A_39 = arith.constant 125 : i32
    %scan3A_40 = arith.addi %scan3A, %scan3A_39 : i32
    %scan3A_41 = arith.constant 1 : i32
    scf.for %scan3A_44 = %scan3A to %scan3A_40 step %scan3A_41  : i32 {
      %rem3A = arith.constant 2 : i32
      %rem3A_45 = arith.remsi %scan3A_44, %rem3A : i32
      %mul3A_46 = arith.constant 125 : i32
      %mul3A_47 = arith.muli %add3A, %mul3A_46 : i32
      %add3A_48 = arith.addi %mul3A_47, %scan3A_44 : i32
      %mul3A_49 = arith.constant 80 : i32
      %mul3A_50 = arith.muli %add3A_48, %mul3A_49 : i32
      %dma_wait3A = arith.constant 1 : i32
      %dma_wait3A_51 = arith.constant 0 : i32
      %dma_wait3A_52 = tpu.memref_slice %arg10[%rem3A_45, %dma_wait3A_51] : memref<2x80xi32, #tpu.memory_space<vmem>> -> memref<1x80xi32, #tpu.memory_space<vmem>>
      %dma_wait3A_53 = tpu.memref_squeeze %dma_wait3A_52 : memref<1x80xi32, #tpu.memory_space<vmem>> -> memref<80xi32, #tpu.memory_space<vmem>>
      %dma_wait3A_54 = tpu.memref_slice %arg3[%dma_wait3A, %mul3A_50] : memref<2x320000xi32, #tpu.memory_space<hbm>> -> memref<1x80xi32, #tpu.memory_space<hbm>>
      %dma_wait3A_55 = tpu.memref_squeeze %dma_wait3A_54 : memref<1x80xi32, #tpu.memory_space<hbm>> -> memref<80xi32, #tpu.memory_space<hbm>>
      %dma_wait3A_56 = tpu.memref_slice %arg14[%rem3A_45] : memref<2x!tpu.dma_semaphore, #tpu.memory_space<semaphore_mem>> -> memref<1x!tpu.dma_semaphore, #tpu.memory_space<semaphore_mem>>
      %dma_wait3A_57 = tpu.memref_squeeze %dma_wait3A_56 : memref<1x!tpu.dma_semaphore, #tpu.memory_space<semaphore_mem>> -> memref<!tpu.dma_semaphore, #tpu.memory_space<semaphore_mem>>
      %dma_wait3A_58 = arith.constant 0 : i32
      %dma_wait3A_59 = tpu.memref_slice %arg10[%rem3A_45, %dma_wait3A_58] : memref<2x80xi32, #tpu.memory_space<vmem>> -> memref<1x80xi32, #tpu.memory_space<vmem>>
      %dma_wait3A_60 = tpu.memref_squeeze %dma_wait3A_59 : memref<1x80xi32, #tpu.memory_space<vmem>> -> memref<80xi32, #tpu.memory_space<vmem>>
      %dma_wait3A_61 = tpu.memref_slice %arg3[%dma_wait3A, %mul3A_50] : memref<2x320000xi32, #tpu.memory_space<hbm>> -> memref<1x80xi32, #tpu.memory_space<hbm>>
      %dma_wait3A_62 = tpu.memref_squeeze %dma_wait3A_61 : memref<1x80xi32, #tpu.memory_space<hbm>> -> memref<80xi32, #tpu.memory_space<hbm>>
      tpu.wait_dma2 semaphore(%dma_wait3A_57 : memref<!tpu.dma_semaphore, #tpu.memory_space<semaphore_mem>>) src(%dma_wait3A_62 : memref<80xi32, #tpu.memory_space<hbm>>) dst(%dma_wait3A_60 : memref<80xi32, #tpu.memory_space<vmem>>)
      %dma_wait3A_63 = arith.constant 0 : i32
      %dma_wait3A_64 = arith.constant 0 : i32
      %dma_wait3A_65 = tpu.memref_slice %arg9[%rem3A_45, %dma_wait3A_63, %dma_wait3A_64] : memref<2x80x16xf32, #tpu.memory_space<vmem>> -> memref<1x80x16xf32, #tpu.memory_space<vmem>>
      %dma_wait3A_66 = tpu.memref_squeeze %dma_wait3A_65 : memref<1x80x16xf32, #tpu.memory_space<vmem>> -> memref<80x16xf32, #tpu.memory_space<vmem>>
      %dma_wait3A_67 = arith.constant 0 : i32
      %dma_wait3A_68 = tpu.memref_slice %arg2[%mul3A_50, %dma_wait3A_67] : memref<320000x16xf32, #tpu.memory_space<hbm>> -> memref<80x16xf32, #tpu.memory_space<hbm>>
      %dma_wait3A_69 = tpu.memref_slice %arg14[%rem3A_45] : memref<2x!tpu.dma_semaphore, #tpu.memory_space<semaphore_mem>> -> memref<1x!tpu.dma_semaphore, #tpu.memory_space<semaphore_mem>>
      %dma_wait3A_70 = tpu.memref_squeeze %dma_wait3A_69 : memref<1x!tpu.dma_semaphore, #tpu.memory_space<semaphore_mem>> -> memref<!tpu.dma_semaphore, #tpu.memory_space<semaphore_mem>>
      %dma_wait3A_71 = arith.constant 0 : i32
      %dma_wait3A_72 = arith.constant 0 : i32
      %dma_wait3A_73 = tpu.memref_slice %arg9[%rem3A_45, %dma_wait3A_71, %dma_wait3A_72] : memref<2x80x16xf32, #tpu.memory_space<vmem>> -> memref<1x80x16xf32, #tpu.memory_space<vmem>>
      %dma_wait3A_74 = tpu.memref_squeeze %dma_wait3A_73 : memref<1x80x16xf32, #tpu.memory_space<vmem>> -> memref<80x16xf32, #tpu.memory_space<vmem>>
      %dma_wait3A_75 = arith.constant 0 : i32
      %dma_wait3A_76 = tpu.memref_slice %arg2[%mul3A_50, %dma_wait3A_75] : memref<320000x16xf32, #tpu.memory_space<hbm>> -> memref<80x16xf32, #tpu.memory_space<hbm>>
      tpu.wait_dma2 semaphore(%dma_wait3A_70 : memref<!tpu.dma_semaphore, #tpu.memory_space<semaphore_mem>>) src(%dma_wait3A_76 : memref<80x16xf32, #tpu.memory_space<hbm>>) dst(%dma_wait3A_74 : memref<80x16xf32, #tpu.memory_space<vmem>>)
      %add3A_77 = arith.constant 1 : i32
      %add3A_78 = arith.addi %scan3A_44, %add3A_77 : i32
      %lt3A = arith.constant 125 : i32
      %lt3A_79 = arith.cmpi slt, %add3A_78, %lt3A : i32
      %convert_element_type3A = arith.extui %lt3A_79 : i1 to i32
      %cond3A = arith.constant 0 : i32
      %cond3A_80 = arith.cmpi ne, %convert_element_type3A, %cond3A : i32
      scf.if %cond3A_80 {
        %add3A_113 = arith.constant 1 : i32
        %add3A_114 = arith.addi %scan3A_44, %add3A_113 : i32
        %sub3A = arith.constant 1 : i32
        %sub3A_115 = arith.subi %sub3A, %rem3A_45 : i32
        %mul3A_116 = arith.constant 125 : i32
        %mul3A_117 = arith.muli %add3A, %mul3A_116 : i32
        %add3A_118 = arith.addi %mul3A_117, %add3A_114 : i32
        %mul3A_119 = arith.constant 80 : i32
        %mul3A_120 = arith.muli %add3A_118, %mul3A_119 : i32
        %dma_start3A_121 = arith.constant 1 : i32
        %dma_start3A_122 = arith.constant 0 : i32
        %dma_start3A_123 = tpu.memref_slice %arg10[%sub3A_115, %dma_start3A_122] : memref<2x80xi32, #tpu.memory_space<vmem>> -> memref<1x80xi32, #tpu.memory_space<vmem>>
        %dma_start3A_124 = tpu.memref_squeeze %dma_start3A_123 : memref<1x80xi32, #tpu.memory_space<vmem>> -> memref<80xi32, #tpu.memory_space<vmem>>
        %dma_start3A_125 = tpu.memref_slice %arg3[%dma_start3A_121, %mul3A_120] : memref<2x320000xi32, #tpu.memory_space<hbm>> -> memref<1x80xi32, #tpu.memory_space<hbm>>
        %dma_start3A_126 = tpu.memref_squeeze %dma_start3A_125 : memref<1x80xi32, #tpu.memory_space<hbm>> -> memref<80xi32, #tpu.memory_space<hbm>>
        %dma_start3A_127 = tpu.memref_slice %arg14[%sub3A_115] : memref<2x!tpu.dma_semaphore, #tpu.memory_space<semaphore_mem>> -> memref<1x!tpu.dma_semaphore, #tpu.memory_space<semaphore_mem>>
        %dma_start3A_128 = tpu.memref_squeeze %dma_start3A_127 : memref<1x!tpu.dma_semaphore, #tpu.memory_space<semaphore_mem>> -> memref<!tpu.dma_semaphore, #tpu.memory_space<semaphore_mem>>
        %dma_start3A_129 = arith.constant 0 : i32
        %dma_start3A_130 = tpu.memref_slice %arg10[%sub3A_115, %dma_start3A_129] : memref<2x80xi32, #tpu.memory_space<vmem>> -> memref<1x80xi32, #tpu.memory_space<vmem>>
        %dma_start3A_131 = tpu.memref_squeeze %dma_start3A_130 : memref<1x80xi32, #tpu.memory_space<vmem>> -> memref<80xi32, #tpu.memory_space<vmem>>
        %dma_start3A_132 = tpu.memref_slice %arg3[%dma_start3A_121, %mul3A_120] : memref<2x320000xi32, #tpu.memory_space<hbm>> -> memref<1x80xi32, #tpu.memory_space<hbm>>
        %dma_start3A_133 = tpu.memref_squeeze %dma_start3A_132 : memref<1x80xi32, #tpu.memory_space<hbm>> -> memref<80xi32, #tpu.memory_space<hbm>>
        tpu.enqueue_dma source(%dma_start3A_133 : memref<80xi32, #tpu.memory_space<hbm>>) target(%dma_start3A_131 : memref<80xi32, #tpu.memory_space<vmem>>) target_semaphore(%dma_start3A_128 : memref<!tpu.dma_semaphore, #tpu.memory_space<semaphore_mem>>)
        %dma_start3A_134 = arith.constant 0 : i32
        %dma_start3A_135 = arith.constant 0 : i32
        %dma_start3A_136 = tpu.memref_slice %arg9[%sub3A_115, %dma_start3A_134, %dma_start3A_135] : memref<2x80x16xf32, #tpu.memory_space<vmem>> -> memref<1x80x16xf32, #tpu.memory_space<vmem>>
        %dma_start3A_137 = tpu.memref_squeeze %dma_start3A_136 : memref<1x80x16xf32, #tpu.memory_space<vmem>> -> memref<80x16xf32, #tpu.memory_space<vmem>>
        %dma_start3A_138 = arith.constant 0 : i32
        %dma_start3A_139 = tpu.memref_slice %arg2[%mul3A_120, %dma_start3A_138] : memref<320000x16xf32, #tpu.memory_space<hbm>> -> memref<80x16xf32, #tpu.memory_space<hbm>>
        %dma_start3A_140 = tpu.memref_slice %arg14[%sub3A_115] : memref<2x!tpu.dma_semaphore, #tpu.memory_space<semaphore_mem>> -> memref<1x!tpu.dma_semaphore, #tpu.memory_space<semaphore_mem>>
        %dma_start3A_141 = tpu.memref_squeeze %dma_start3A_140 : memref<1x!tpu.dma_semaphore, #tpu.memory_space<semaphore_mem>> -> memref<!tpu.dma_semaphore, #tpu.memory_space<semaphore_mem>>
        %dma_start3A_142 = arith.constant 0 : i32
        %dma_start3A_143 = arith.constant 0 : i32
        %dma_start3A_144 = tpu.memref_slice %arg9[%sub3A_115, %dma_start3A_142, %dma_start3A_143] : memref<2x80x16xf32, #tpu.memory_space<vmem>> -> memref<1x80x16xf32, #tpu.memory_space<vmem>>
        %dma_start3A_145 = tpu.memref_squeeze %dma_start3A_144 : memref<1x80x16xf32, #tpu.memory_space<vmem>> -> memref<80x16xf32, #tpu.memory_space<vmem>>
        %dma_start3A_146 = arith.constant 0 : i32
        %dma_start3A_147 = tpu.memref_slice %arg2[%mul3A_120, %dma_start3A_146] : memref<320000x16xf32, #tpu.memory_space<hbm>> -> memref<80x16xf32, #tpu.memory_space<hbm>>
        tpu.enqueue_dma source(%dma_start3A_147 : memref<80x16xf32, #tpu.memory_space<hbm>>) target(%dma_start3A_145 : memref<80x16xf32, #tpu.memory_space<vmem>>) target_semaphore(%dma_start3A_141 : memref<!tpu.dma_semaphore, #tpu.memory_space<semaphore_mem>>)
      } else {
      }
      %dma_start3A_81 = arith.constant 0 : i32
      %dma_start3A_82 = arith.constant 0 : i32
      %dma_start3A_83 = tpu.memref_slice %arg9[%rem3A_45, %dma_start3A_81, %dma_start3A_82] : memref<2x80x16xf32, #tpu.memory_space<vmem>> -> memref<1x80x16xf32, #tpu.memory_space<vmem>>
      %dma_start3A_84 = tpu.memref_squeeze %dma_start3A_83 : memref<1x80x16xf32, #tpu.memory_space<vmem>> -> memref<80x16xf32, #tpu.memory_space<vmem>>
      %dma_start3A_85 = arith.constant 0 : i32
      %dma_start3A_86 = tpu.memref_slice %arg10[%rem3A_45, %dma_start3A_85] : memref<2x80xi32, #tpu.memory_space<vmem>> -> memref<1x80xi32, #tpu.memory_space<vmem>>
      %dma_start3A_87 = tpu.memref_squeeze %dma_start3A_86 : memref<1x80xi32, #tpu.memory_space<vmem>> -> memref<80xi32, #tpu.memory_space<vmem>>
      %dma_start3A_88 = arith.constant 0 : i32
      %dma_start3A_89 = arith.constant 0 : i32
      %dma_start3A_90 = tpu.memref_slice %arg12[%dma_start3A_88, %dma_start3A_89] : memref<10112x16xf32, #tpu.memory_space<vmem_shared>> -> memref<10112x16xf32, #tpu.memory_space<vmem_shared>>
      tpu.enqueue_indirect_dma source(%dma_start3A_84 : memref<80x16xf32, #tpu.memory_space<vmem>>) target(%dma_start3A_90 : memref<10112x16xf32, #tpu.memory_space<vmem_shared>>) offsets(%dma_start3A_87 : memref<80xi32, #tpu.memory_space<vmem>>) semaphore(%arg15 : memref<!tpu.dma_semaphore, #tpu.memory_space<semaphore_mem>>) {add = true}
      %dma_start3A_91 = arith.constant 0 : i32
      %dma_start3A_92 = tpu.memref_slice %arg10[%rem3A_45, %dma_start3A_91] : memref<2x80xi32, #tpu.memory_space<vmem>> -> memref<1x80xi32, #tpu.memory_space<vmem>>
      %dma_start3A_93 = tpu.memref_squeeze %dma_start3A_92 : memref<1x80xi32, #tpu.memory_space<vmem>> -> memref<80xi32, #tpu.memory_space<vmem>>
      %dma_start3A_94 = arith.constant 0 : i32
      %dma_start3A_95 = arith.constant 0 : i32
      %dma_start3A_96 = tpu.memref_slice %arg13[%dma_start3A_94, %dma_start3A_95] : memref<10112x8xf32, #tpu.memory_space<vmem_shared>> -> memref<10112x8xf32, #tpu.memory_space<vmem_shared>>
      tpu.enqueue_indirect_dma source(%arg11 : memref<80x8xf32, #tpu.memory_space<vmem>>) target(%dma_start3A_96 : memref<10112x8xf32, #tpu.memory_space<vmem_shared>>) offsets(%dma_start3A_93 : memref<80xi32, #tpu.memory_space<vmem>>) semaphore(%arg16 : memref<!tpu.dma_semaphore, #tpu.memory_space<semaphore_mem>>) {add = true}
      %dma_wait3A_97 = arith.constant 0 : i32
      %dma_wait3A_98 = arith.constant 0 : i32
      %dma_wait3A_99 = tpu.memref_slice %arg9[%rem3A_45, %dma_wait3A_97, %dma_wait3A_98] : memref<2x80x16xf32, #tpu.memory_space<vmem>> -> memref<1x80x16xf32, #tpu.memory_space<vmem>>
      %dma_wait3A_100 = tpu.memref_squeeze %dma_wait3A_99 : memref<1x80x16xf32, #tpu.memory_space<vmem>> -> memref<80x16xf32, #tpu.memory_space<vmem>>
      %dma_wait3A_101 = arith.constant 0 : i32
      %dma_wait3A_102 = tpu.memref_slice %arg10[%rem3A_45, %dma_wait3A_101] : memref<2x80xi32, #tpu.memory_space<vmem>> -> memref<1x80xi32, #tpu.memory_space<vmem>>
      %dma_wait3A_103 = tpu.memref_squeeze %dma_wait3A_102 : memref<1x80xi32, #tpu.memory_space<vmem>> -> memref<80xi32, #tpu.memory_space<vmem>>
      %dma_wait3A_104 = arith.constant 0 : i32
      %dma_wait3A_105 = arith.constant 0 : i32
      %dma_wait3A_106 = tpu.memref_slice %arg12[%dma_wait3A_104, %dma_wait3A_105] : memref<10112x16xf32, #tpu.memory_space<vmem_shared>> -> memref<10112x16xf32, #tpu.memory_space<vmem_shared>>
      tpu.wait_indirect_dma semaphore(%arg15 : memref<!tpu.dma_semaphore, #tpu.memory_space<semaphore_mem>>) src(%dma_wait3A_100 : memref<80x16xf32, #tpu.memory_space<vmem>>) dst(%dma_wait3A_106 : memref<10112x16xf32, #tpu.memory_space<vmem_shared>>)
      %dma_wait3A_107 = arith.constant 0 : i32
      %dma_wait3A_108 = tpu.memref_slice %arg10[%rem3A_45, %dma_wait3A_107] : memref<2x80xi32, #tpu.memory_space<vmem>> -> memref<1x80xi32, #tpu.memory_space<vmem>>
      %dma_wait3A_109 = tpu.memref_squeeze %dma_wait3A_108 : memref<1x80xi32, #tpu.memory_space<vmem>> -> memref<80xi32, #tpu.memory_space<vmem>>
      %dma_wait3A_110 = arith.constant 0 : i32
      %dma_wait3A_111 = arith.constant 0 : i32
      %dma_wait3A_112 = tpu.memref_slice %arg13[%dma_wait3A_110, %dma_wait3A_111] : memref<10112x8xf32, #tpu.memory_space<vmem_shared>> -> memref<10112x8xf32, #tpu.memory_space<vmem_shared>>
      tpu.wait_indirect_dma semaphore(%arg16 : memref<!tpu.dma_semaphore, #tpu.memory_space<semaphore_mem>>) src(%arg11 : memref<80x8xf32, #tpu.memory_space<vmem>>) dst(%dma_wait3A_112 : memref<10112x8xf32, #tpu.memory_space<vmem_shared>>)
    }
    %scan3A_42 = arith.constant 125 : i32
    %barrier3A_43 = arith.constant 0 : index
    tpu.barrier barrier_id(%barrier3A_43)
    "tpu.region"() ({
      %run_scoped3A = tpu.sem_alloc : memref<!tpu.dma_semaphore, #tpu.memory_space<semaphore_mem>>
      %dma_start3A_44 = arith.constant 0 : i32
      %dma_start3A_45 = tpu.memref_slice %arg7[%arg0, %mul3A_2, %dma_start3A_44] : memref<2x10112x16xf32, #tpu.memory_space<hbm>> -> memref<1x632x16xf32, #tpu.memory_space<hbm>>
      %dma_start3A_46 = tpu.memref_squeeze %dma_start3A_45 : memref<1x632x16xf32, #tpu.memory_space<hbm>> -> memref<632x16xf32, #tpu.memory_space<hbm>>
      %dma_start3A_47 = arith.constant 0 : i32
      %dma_start3A_48 = tpu.memref_slice %arg12[%mul3A_2, %dma_start3A_47] : memref<10112x16xf32, #tpu.memory_space<vmem_shared>> -> memref<632x16xf32, #tpu.memory_space<vmem_shared>>
      tpu.enqueue_dma source(%dma_start3A_48 : memref<632x16xf32, #tpu.memory_space<vmem_shared>>) target(%dma_start3A_46 : memref<632x16xf32, #tpu.memory_space<hbm>>) target_semaphore(%run_scoped3A : memref<!tpu.dma_semaphore, #tpu.memory_space<semaphore_mem>>)
      %dma_wait3A = arith.constant 0 : i32
      %dma_wait3A_49 = tpu.memref_slice %arg7[%arg0, %mul3A_2, %dma_wait3A] : memref<2x10112x16xf32, #tpu.memory_space<hbm>> -> memref<1x632x16xf32, #tpu.memory_space<hbm>>
      %dma_wait3A_50 = tpu.memref_squeeze %dma_wait3A_49 : memref<1x632x16xf32, #tpu.memory_space<hbm>> -> memref<632x16xf32, #tpu.memory_space<hbm>>
      %dma_wait3A_51 = arith.constant 0 : i32
      %dma_wait3A_52 = tpu.memref_slice %arg12[%mul3A_2, %dma_wait3A_51] : memref<10112x16xf32, #tpu.memory_space<vmem_shared>> -> memref<632x16xf32, #tpu.memory_space<vmem_shared>>
      tpu.wait_dma2 semaphore(%run_scoped3A : memref<!tpu.dma_semaphore, #tpu.memory_space<semaphore_mem>>) src(%dma_wait3A_52 : memref<632x16xf32, #tpu.memory_space<vmem_shared>>) dst(%dma_wait3A_50 : memref<632x16xf32, #tpu.memory_space<hbm>>)
      tpu.yield
    }) : () -> ()
    "tpu.region"() ({
      %run_scoped3A = tpu.sem_alloc : memref<!tpu.dma_semaphore, #tpu.memory_space<semaphore_mem>>
      %dma_start3A_44 = arith.constant 0 : i32
      %dma_start3A_45 = tpu.memref_slice %arg8[%arg0, %mul3A_2, %dma_start3A_44] : memref<2x10112x8xf32, #tpu.memory_space<hbm>> -> memref<1x632x8xf32, #tpu.memory_space<hbm>>
      %dma_start3A_46 = tpu.memref_squeeze %dma_start3A_45 : memref<1x632x8xf32, #tpu.memory_space<hbm>> -> memref<632x8xf32, #tpu.memory_space<hbm>>
      %dma_start3A_47 = arith.constant 0 : i32
      %dma_start3A_48 = tpu.memref_slice %arg13[%mul3A_2, %dma_start3A_47] : memref<10112x8xf32, #tpu.memory_space<vmem_shared>> -> memref<632x8xf32, #tpu.memory_space<vmem_shared>>
      tpu.enqueue_dma source(%dma_start3A_48 : memref<632x8xf32, #tpu.memory_space<vmem_shared>>) target(%dma_start3A_46 : memref<632x8xf32, #tpu.memory_space<hbm>>) target_semaphore(%run_scoped3A : memref<!tpu.dma_semaphore, #tpu.memory_space<semaphore_mem>>)
      %dma_wait3A = arith.constant 0 : i32
      %dma_wait3A_49 = tpu.memref_slice %arg8[%arg0, %mul3A_2, %dma_wait3A] : memref<2x10112x8xf32, #tpu.memory_space<hbm>> -> memref<1x632x8xf32, #tpu.memory_space<hbm>>
      %dma_wait3A_50 = tpu.memref_squeeze %dma_wait3A_49 : memref<1x632x8xf32, #tpu.memory_space<hbm>> -> memref<632x8xf32, #tpu.memory_space<hbm>>
      %dma_wait3A_51 = arith.constant 0 : i32
      %dma_wait3A_52 = tpu.memref_slice %arg13[%mul3A_2, %dma_wait3A_51] : memref<10112x8xf32, #tpu.memory_space<vmem_shared>> -> memref<632x8xf32, #tpu.memory_space<vmem_shared>>
      tpu.wait_dma2 semaphore(%run_scoped3A : memref<!tpu.dma_semaphore, #tpu.memory_space<semaphore_mem>>) src(%dma_wait3A_52 : memref<632x8xf32, #tpu.memory_space<vmem_shared>>) dst(%dma_wait3A_50 : memref<632x8xf32, #tpu.memory_space<hbm>>)
      tpu.yield
    }) : () -> ()
    return
  }
}

module attributes {stable_mosaic.version = 14 : i64} {
  func.func @body(%arg0: i32, %arg1: memref<1000x128xf32, #tpu.memory_space<vmem>>, %arg2: memref<1000x128xf32, #tpu.memory_space<vmem>>, %arg3: memref<64x64xf32, #tpu.memory_space<vmem>>, %arg4: memref<336x128xf32, #tpu.memory_space<vmem>>, %arg5: memref<128xf32, #tpu.memory_space<vmem>>, %arg6: memref<1x1x1000xi32, #tpu.memory_space<vmem>>, %arg7: memref<1000x128xf32, #tpu.memory_space<vmem>>) attributes {dimension_semantics = [#tpu.dimension_semantics<arbitrary>], iteration_bounds = array<i64: 10>, scalar_prefetch = 0 : i64, scratch_operands = 0 : i64, tpu.core_type = #tpu.core_type<tc>, window_params = [{transform_indices = @transform_0, window_bounds = array<i64: 1000, 128>}, {transform_indices = @transform_1, window_bounds = array<i64: 1000, 128>}, {pipeline_mode = #tpu.pipeline_mode<synchronous>, transform_indices = @transform_2, window_bounds = array<i64: 64, 64>}, {pipeline_mode = #tpu.pipeline_mode<synchronous>, transform_indices = @transform_3, window_bounds = array<i64: 336, 128>}, {pipeline_mode = #tpu.pipeline_mode<synchronous>, transform_indices = @transform_4, window_bounds = array<i64: 128>}, {transform_indices = @transform_5, window_bounds = array<i64: 1, 1, 1000>}, {transform_indices = @transform_6, window_bounds = array<i64: 1000, 128>}]} {
    %get3A = arith.constant 0 : index
    %get3A_0 = arith.constant 0 : index
    %get3A_1 = arith.constant 0 : index
    %get3A_2 = vector.load %arg6[%get3A, %get3A_0, %get3A_1] : memref<1x1x1000xi32, #tpu.memory_space<vmem>>, vector<1x1x1000xi32>
    %get3A_3 = vector.shape_cast %get3A_2 : vector<1x1x1000xi32> to vector<1000xi32>
    %broadcast_in_dim3A = vector.shape_cast %get3A_3 : vector<1000xi32> to vector<1000x1xi32>
    %iota3A = tpu.iota {dimensions = array<i32: 1>} : vector<1000x64xi32>
    %eq3A = vector.broadcast %broadcast_in_dim3A : vector<1000x1xi32> to vector<1000x64xi32>
    %eq3A_4 = arith.cmpi eq, %eq3A, %iota3A : vector<1000x64xi32>
    %convert_element_type3A = arith.extui %eq3A_4 : vector<1000x64xi1> to vector<1000x64xi32>
    %convert_element_type3A_5 = arith.sitofp %convert_element_type3A : vector<1000x64xi32> to vector<1000x64xf32>
    %get3A_6 = arith.constant 0 : index
    %get3A_7 = arith.constant 0 : index
    %get3A_8 = vector.load %arg3[%get3A_6, %get3A_7] : memref<64x64xf32, #tpu.memory_space<vmem>>, vector<64x64xf32>
    %get3A_9 = arith.constant 272 : index
    %get3A_10 = arith.constant 0 : index
    %get3A_11 = vector.load %arg4[%get3A_9, %get3A_10] : memref<336x128xf32, #tpu.memory_space<vmem>>, vector<64x128xf32>
    %dot_general3A = arith.constant dense<0.000000e+00> : vector<64x128xf32>
    %dot_general3A_12 = tpu.matmul %get3A_8, %get3A_11, %dot_general3A {dimension_numbers = #tpu.dot_dimension_numbers<[1], [0], [0], [1], [0, 0, 1, 1], [], []>, transpose_lhs_hint = false} : vector<64x64xf32>, vector<64x128xf32>, vector<64x128xf32> -> vector<64x128xf32>
    %get3A_13 = arith.constant 0 : index
    %get3A_14 = arith.constant 0 : index
    %get3A_15 = vector.load %arg1[%get3A_13, %get3A_14] : memref<1000x128xf32, #tpu.memory_space<vmem>>, vector<1000x128xf32>
    %get3A_16 = arith.constant 0 : index
    %get3A_17 = arith.constant 0 : index
    %get3A_18 = vector.load %arg4[%get3A_16, %get3A_17] : memref<336x128xf32, #tpu.memory_space<vmem>>, vector<128x128xf32>
    %dot_general3A_19 = arith.constant dense<0.000000e+00> : vector<1000x128xf32>
    %dot_general3A_20 = tpu.matmul %get3A_15, %get3A_18, %dot_general3A_19 {dimension_numbers = #tpu.dot_dimension_numbers<[1], [0], [0], [1], [0, 0, 1, 1], [], []>, transpose_lhs_hint = false} : vector<1000x128xf32>, vector<128x128xf32>, vector<1000x128xf32> -> vector<1000x128xf32>
    %get3A_21 = arith.constant 0 : index
    %get3A_22 = arith.constant 0 : index
    %get3A_23 = vector.load %arg2[%get3A_21, %get3A_22] : memref<1000x128xf32, #tpu.memory_space<vmem>>, vector<1000x128xf32>
    %get3A_24 = arith.constant 128 : index
    %get3A_25 = arith.constant 0 : index
    %get3A_26 = vector.load %arg4[%get3A_24, %get3A_25] : memref<336x128xf32, #tpu.memory_space<vmem>>, vector<128x128xf32>
    %dot_general3A_27 = arith.constant dense<0.000000e+00> : vector<1000x128xf32>
    %dot_general3A_28 = tpu.matmul %get3A_23, %get3A_26, %dot_general3A_27 {dimension_numbers = #tpu.dot_dimension_numbers<[1], [0], [0], [1], [0, 0, 1, 1], [], []>, transpose_lhs_hint = false} : vector<1000x128xf32>, vector<128x128xf32>, vector<1000x128xf32> -> vector<1000x128xf32>
    %add3A = arith.addf %dot_general3A_20, %dot_general3A_28 : vector<1000x128xf32>
    %dot_general3A_29 = arith.constant dense<0.000000e+00> : vector<1000x128xf32>
    %dot_general3A_30 = tpu.matmul %convert_element_type3A_5, %dot_general3A_12, %dot_general3A_29 {dimension_numbers = #tpu.dot_dimension_numbers<[1], [0], [0], [1], [0, 0, 1, 1], [], []>, transpose_lhs_hint = false} : vector<1000x64xf32>, vector<64x128xf32>, vector<1000x128xf32> -> vector<1000x128xf32>
    %add3A_31 = arith.addf %add3A, %dot_general3A_30 : vector<1000x128xf32>
    %get3A_32 = arith.constant 0 : index
    %get3A_33 = vector.load %arg5[%get3A_32] : memref<128xf32, #tpu.memory_space<vmem>>, vector<128xf32>
    %broadcast_in_dim3A_34 = vector.shape_cast %get3A_33 : vector<128xf32> to vector<1x128xf32>
    %add3A_35 = vector.broadcast %broadcast_in_dim3A_34 : vector<1x128xf32> to vector<1000x128xf32>
    %add3A_36 = arith.addf %add3A_31, %add3A_35 : vector<1000x128xf32>
    %swap3A = arith.constant 0 : index
    %swap3A_37 = arith.constant 0 : index
    %swap3A_38 = vector.load %arg7[%swap3A, %swap3A_37] : memref<1000x128xf32, #tpu.memory_space<vmem>>, vector<1000x128xf32>
    tpu.vector_store %arg7[%swap3A, %swap3A_37], %add3A_36 {strides = array<i32>} : memref<1000x128xf32, #tpu.memory_space<vmem>>, vector<1000x128xf32>,
    return
  }
  func.func @transform_0(%arg0: i32) -> (i32, i32) {
    %c0_i32 = arith.constant 0 : i32
    %c0_i32_0 = arith.constant 0 : i32
    return %arg0, %c0_i32 : i32, i32
  }
  func.func @transform_1(%arg0: i32) -> (i32, i32) {
    %c0_i32 = arith.constant 0 : i32
    %c0_i32_0 = arith.constant 0 : i32
    return %arg0, %c0_i32 : i32, i32
  }
  func.func @transform_2(%arg0: i32) -> (i32, i32) {
    %c0_i32 = arith.constant 0 : i32
    %c0_i32_0 = arith.constant 0 : i32
    %c0_i32_1 = arith.constant 0 : i32
    return %c0_i32, %c0_i32_0 : i32, i32
  }
  func.func @transform_3(%arg0: i32) -> (i32, i32) {
    %c0_i32 = arith.constant 0 : i32
    %c0_i32_0 = arith.constant 0 : i32
    %c0_i32_1 = arith.constant 0 : i32
    return %c0_i32, %c0_i32_0 : i32, i32
  }
  func.func @transform_4(%arg0: i32) -> i32 {
    %c0_i32 = arith.constant 0 : i32
    %c0_i32_0 = arith.constant 0 : i32
    return %c0_i32 : i32
  }
  func.func @transform_5(%arg0: i32) -> (i32, i32, i32) {
    %c0_i32 = arith.constant 0 : i32
    %c0_i32_0 = arith.constant 0 : i32
    %c0_i32_1 = arith.constant 0 : i32
    return %arg0, %c0_i32, %c0_i32_0 : i32, i32, i32
  }
  func.func @transform_6(%arg0: i32) -> (i32, i32) {
    %c0_i32 = arith.constant 0 : i32
    %c0_i32_0 = arith.constant 0 : i32
    return %arg0, %c0_i32 : i32, i32
  }
}

module attributes {stable_mosaic.version = 14 : i64} {
  func.func @body(%arg0: i32, %arg1: memref<1000x128xf32, #tpu.memory_space<vmem>>, %arg2: memref<2x1000x16xf32, #tpu.memory_space<vmem>>, %arg3: memref<2x1000x8xf32, #tpu.memory_space<vmem>>, %arg4: memref<336x128xf32, #tpu.memory_space<vmem>>, %arg5: memref<1000x128xf32, #tpu.memory_space<vmem>>) attributes {dimension_semantics = [#tpu.dimension_semantics<arbitrary>], iteration_bounds = array<i64: 10>, scalar_prefetch = 0 : i64, scratch_operands = 0 : i64, tpu.core_type = #tpu.core_type<tc>, window_params = [{transform_indices = @transform_0, window_bounds = array<i64: 1000, 128>}, {transform_indices = @transform_1, window_bounds = array<i64: 2, 1000, 16>}, {transform_indices = @transform_2, window_bounds = array<i64: 2, 1000, 8>}, {pipeline_mode = #tpu.pipeline_mode<synchronous>, transform_indices = @transform_3, window_bounds = array<i64: 336, 128>}, {transform_indices = @transform_4, window_bounds = array<i64: 1000, 128>}]} {
    %get3A = arith.constant 0 : index
    %get3A_0 = arith.constant 0 : index
    %get3A_1 = arith.constant 0 : index
    %get3A_2 = vector.load %arg2[%get3A, %get3A_0, %get3A_1] : memref<2x1000x16xf32, #tpu.memory_space<vmem>>, vector<1x1000x16xf32>
    %get3A_3 = vector.shape_cast %get3A_2 : vector<1x1000x16xf32> to vector<1000x16xf32>
    %get3A_4 = arith.constant 1 : index
    %get3A_5 = arith.constant 0 : index
    %get3A_6 = arith.constant 0 : index
    %get3A_7 = vector.load %arg2[%get3A_4, %get3A_5, %get3A_6] : memref<2x1000x16xf32, #tpu.memory_space<vmem>>, vector<1x1000x16xf32>
    %get3A_8 = vector.shape_cast %get3A_7 : vector<1x1000x16xf32> to vector<1000x16xf32>
    %add3A = arith.addf %get3A_3, %get3A_8 : vector<1000x16xf32>
    %get3A_9 = arith.constant 0 : index
    %get3A_10 = arith.constant 0 : index
    %get3A_11 = arith.constant 0 : index
    %get3A_12 = vector.load %arg3[%get3A_9, %get3A_10, %get3A_11] : memref<2x1000x8xf32, #tpu.memory_space<vmem>>, vector<1x1000x8xf32>
    %get3A_13 = vector.shape_cast %get3A_12 : vector<1x1000x8xf32> to vector<1000x8xf32>
    %slice3A = vector.extract_strided_slice %get3A_13 {offsets = [0, 0], sizes = [1000, 1], strides = [1, 1]} : vector<1000x8xf32> to vector<1000x1xf32>
    %get3A_14 = arith.constant 1 : index
    %get3A_15 = arith.constant 0 : index
    %get3A_16 = arith.constant 0 : index
    %get3A_17 = vector.load %arg3[%get3A_14, %get3A_15, %get3A_16] : memref<2x1000x8xf32, #tpu.memory_space<vmem>>, vector<1x1000x8xf32>
    %get3A_18 = vector.shape_cast %get3A_17 : vector<1x1000x8xf32> to vector<1000x8xf32>
    %slice3A_19 = vector.extract_strided_slice %get3A_18 {offsets = [0, 0], sizes = [1000, 1], strides = [1, 1]} : vector<1000x8xf32> to vector<1000x1xf32>
    %add3A_20 = arith.addf %slice3A, %slice3A_19 : vector<1000x1xf32>
    %max3A = arith.constant 1.000000e+00 : f32
    %max3A_21 = vector.broadcast %max3A : f32 to vector<1000x1xf32>
    %max3A_22 = arith.maximumf %add3A_20, %max3A_21 : vector<1000x1xf32>
    %div3A = vector.broadcast %max3A_22 : vector<1000x1xf32> to vector<1000x16xf32>
    %div3A_23 = arith.divf %add3A, %div3A : vector<1000x16xf32>
    %get3A_24 = arith.constant 0 : index
    %get3A_25 = arith.constant 0 : index
    %get3A_26 = vector.load %arg1[%get3A_24, %get3A_25] : memref<1000x128xf32, #tpu.memory_space<vmem>>, vector<1000x128xf32>
    %get3A_27 = arith.constant 256 : index
    %get3A_28 = arith.constant 0 : index
    %get3A_29 = vector.load %arg4[%get3A_27, %get3A_28] : memref<336x128xf32, #tpu.memory_space<vmem>>, vector<16x128xf32>
    %dot_general3A = arith.constant dense<0.000000e+00> : vector<1000x128xf32>
    %dot_general3A_30 = tpu.matmul %div3A_23, %get3A_29, %dot_general3A {dimension_numbers = #tpu.dot_dimension_numbers<[1], [0], [0], [1], [0, 0, 1, 1], [], []>, transpose_lhs_hint = false} : vector<1000x16xf32>, vector<16x128xf32>, vector<1000x128xf32> -> vector<1000x128xf32>
    %add3A_31 = arith.addf %get3A_26, %dot_general3A_30 : vector<1000x128xf32>
    %max3A_32 = arith.constant 0.000000e+00 : f32
    %max3A_33 = vector.broadcast %max3A_32 : f32 to vector<1000x128xf32>
    %max3A_34 = arith.maximumf %add3A_31, %max3A_33 : vector<1000x128xf32>
    %swap3A = arith.constant 0 : index
    %swap3A_35 = arith.constant 0 : index
    %swap3A_36 = vector.load %arg5[%swap3A, %swap3A_35] : memref<1000x128xf32, #tpu.memory_space<vmem>>, vector<1000x128xf32>
    tpu.vector_store %arg5[%swap3A, %swap3A_35], %max3A_34 {strides = array<i32>} : memref<1000x128xf32, #tpu.memory_space<vmem>>, vector<1000x128xf32>,
    return
  }
  func.func @transform_0(%arg0: i32) -> (i32, i32) {
    %c0_i32 = arith.constant 0 : i32
    %c0_i32_0 = arith.constant 0 : i32
    return %arg0, %c0_i32 : i32, i32
  }
  func.func @transform_1(%arg0: i32) -> (i32, i32, i32) {
    %c0_i32 = arith.constant 0 : i32
    %c0_i32_0 = arith.constant 0 : i32
    %c0_i32_1 = arith.constant 0 : i32
    return %c0_i32, %arg0, %c0_i32_0 : i32, i32, i32
  }
  func.func @transform_2(%arg0: i32) -> (i32, i32, i32) {
    %c0_i32 = arith.constant 0 : i32
    %c0_i32_0 = arith.constant 0 : i32
    %c0_i32_1 = arith.constant 0 : i32
    return %c0_i32, %arg0, %c0_i32_0 : i32, i32, i32
  }
  func.func @transform_3(%arg0: i32) -> (i32, i32) {
    %c0_i32 = arith.constant 0 : i32
    %c0_i32_0 = arith.constant 0 : i32
    %c0_i32_1 = arith.constant 0 : i32
    return %c0_i32, %c0_i32_0 : i32, i32
  }
  func.func @transform_4(%arg0: i32) -> (i32, i32) {
    %c0_i32 = arith.constant 0 : i32
    %c0_i32_0 = arith.constant 0 : i32
    return %arg0, %c0_i32 : i32, i32
  }
}

</mosaic_0001>

<sc_bundles>
// kernel: kernel.5.cloned.1.call-start
scs
__scs_entry_jumppad:
0x0: {  	(pc) =	sbr.rel $0x88, $3  }
0x1: {  	(tag) =	ssettag $0x0;
	lr =	simm.s32 $0x1  }
0x2: {  	[smem:$0x3F99] =	sst lr;
	_ =	strace $0xD0000000  }
0x3: {  	_ = 	snop  }
0x4: {  	_ = 	snop  }
0x5: {  	_ = 	snop  }
0x6: {  	_ = 	snop  }
0x7: {  	_ = 	snop  }
__scs_overlays_trampoline_lowered:
0x8: {  	[smem:$0x3FA8] =	sst s0  }
0x9: {  	[smem:$0x3FA9] =	sst s1  }
0xa: {  	[smem:$0x3FAA] =	sst s2  }
0xb: {  	[smem:$0x3FAB] =	sst s3  }
0xc: {  	[smem:$0x3FAC] =	sst s4  }
0xd: {  	[smem:$0x3FAD] =	sst s5  }
0xe: {  	[smem:$0x3FAE] =	sst s6  }
0xf: {  	[smem:$0x3FAF] =	sst s7  }
0x10: {  	[smem:$0x3FB0] =	sst s8  }
0x11: {  	[smem:$0x3FB1] =	sst s9;
	s0 =	simm.s32 @!p0 $0x0  }
0x12: {  	s1 =	sld [smem:$0x3F97];
	s0 =	simm.s32 @p0 $0x1  }
0x13: {  	[smem:$0x3FB2] =	sst s0;
	s0 =	simm.s32 @!p1 $0x0  }
0x14: {  	s2 =	sld [smem:$0x3F96];
	s0 =	simm.s32 @p1 $0x1  }
0x15: {  	[smem:$0x3FB3] =	sst s0;
	s0 =	simm.s32 @!p2 $0x0  }
0x16: {  	s3 =	sld [smem:$0x3FDB];
	s0 =	simm.s32 @p2 $0x1  }
0x17: {  	s4 =	simm.s32 $0x1BF5;
	[smem:$0x3FB5] =	sst s0  }
0x18: {  	s0 =	sld [smem:$0x3F98];
	_ =	swait.ge [sflag:s4], $0x0  }
0x19: {  	s7 =	sld [smem:$0x3F99]  }
0x1a: {  	s8 =	sadd.s32 $0xFFFFE003, lr  }
0x1b: {  	s9 =	sadd.s32 $0xFFFFFEF7, lr;
	s5 =	simm.s32 $0xFFFFFFFF;
	p2 =	slt.u32 s8, $0xFFFFF086  }
0x1c: {  	p1 =	slt.u32 s9, $0xF7A;
	s5 =	simm.s32 @!p2 $0x0  }
0x1d: {  	s5 =	simm.s32 @p1 $0x1;
	p0 =	seq.s32 s7, s2  }
0x1e: {  	s7 =	smul.u32 @!p0 $0xF7A, s2;
	p2 =	seq.s32 @!p0 s5, $0x0  }
0x1f: {  	s9 =	smul.u32 $0xF7A, s1;
	s8 =	simm.s32 @!p0 $0x1BF5;
	p2 =	por !p2, p0  }
0x20: {  	[sflag:s8] =	ssyncset.s32 @!p0 $0xFFFFF086;
	s6 =	sadd.s32 @!p0 s3, s7;
	s7 =	simm.s32 @!p0 $0x108  }
0x21: {  	s3 =	sadd.s32 s3, s9;
	s6 =	sadd.s32 @!p0 $0x88, s6;
	s7 =	simm.s32 @p2 $0x1082  }
0x22: {  	[simem:s7], [sflag:s8] =	dma.local @!p0 [hbm:s6], $0xF7A  }
0x23: {  	s9 =	sor.u32 $0xD0000000, s2;
	s6 =	simm.s32 $0x108;
	_ =	swait.ge @!p0 [sflag:s8], $0x0  }
0x24: {  	s3 =	sadd.s32 $0x88, s3;
	s6 =	simm.s32 @!p1 $0x1082;
	[sflag:s4] =	ssyncset.s32 $0xFFFFF086  }
0x25: {  	[simem:s6], [sflag:s4] =	dma.local [hbm:s3], $0xF7A  }
0x26: {  	[smem:$0x3F99] =	sst s1;
	(tag) =	ssettag s2;
	_ =	strace s9  }
0x27: {  	s1 =	sld [smem:$0x3FA9]  }
0x28: {  	s2 =	sld [smem:$0x3FAA]  }
0x29: {  	s4 =	sld [smem:$0x3FAC]  }
0x2a: {  	p0 =	seq.s32 s5, $0x0;
	s5 =	sld [smem:$0x3FAD]  }
0x2b: {  	s6 =	sld [smem:$0x3FAE]  }
0x2c: {  	s7 =	sld [smem:$0x3FAF]  }
0x2d: {  	s3 =	simm.s32 $0x108;
	s8 =	sld [smem:$0x3FB0]  }
0x2e: {  	s3 =	simm.s32 @!p0 $0x1082;
	s9 =	sld [smem:$0x3FB1]  }
0x2f: {  	lr =	sadd.s32 s0, s3;
	s0 =	sld [smem:$0x3FA8]  }
0x30: {  	s3 =	sld [smem:$0x3FAB]  }
0x31: {  	[smem:$0x3FB4] =	sst s10  }
0x32: {  	s10 =	sld [smem:$0x3FB2];
	_ =	sdelay $0x3  }
0x33: {  	p0 =	seq.s32 s10, $0x1;
	s10 =	sld [smem:$0x3FB4];
	_ =	sdelay $0x3  }
0x34: {  	[smem:$0x3FB4] =	sst s10  }
0x35: {  	s10 =	sld [smem:$0x3FB3];
	_ =	sdelay $0x3  }
0x36: {  	p1 =	seq.s32 s10, $0x1;
	s10 =	sld [smem:$0x3FB4];
	_ =	sdelay $0x3  }
0x37: {  	[smem:$0x3FB4] =	sst s10  }
0x38: {  	s10 =	sld [smem:$0x3FB5]  }
0x39: {  	_ = 	snop;
	(pc) =	sbr.ind lr, $3  }
0x3a: {  	_ = 	snop  }
0x3b: {  	_ = 	snop  }
0x3c: {  	p2 =	seq.s32 s10, $0x1;
	s10 =	sld [smem:$0x3FB4]  }
0x3d: {  	_ =	shalt  }
0x3e: {  	_ =	shalt  }
0x3f: {  	_ =	shalt  }
0x40: {  	_ =	shalt  }
0x41: {  	_ =	shalt  }
0x42: {  	_ =	shalt  }
0x43: {  	_ =	shalt  }
0x44: {  	_ =	shalt  }
0x45: {  	_ =	shalt  }
0x46: {  	_ =	shalt  }
0x47: {  	_ =	shalt  }
0x48: {  	_ =	shalt  }
0x49: {  	_ =	shalt  }
0x4a: {  	_ =	shalt  }
0x4b: {  	_ =	shalt  }
0x4c: {  	_ =	shalt  }
0x4d: {  	_ =	shalt  }
0x4e: {  	_ =	shalt  }
0x4f: {  	_ =	shalt  }
0x50: {  	_ =	shalt  }
0x51: {  	_ =	shalt  }
0x52: {  	_ =	shalt  }
0x53: {  	_ =	shalt  }
0x54: {  	_ =	shalt  }
0x55: {  	_ =	shalt  }
0x56: {  	_ =	shalt  }
0x57: {  	_ =	shalt  }
0x58: {  	_ =	shalt  }
0x59: {  	_ =	shalt  }
0x5a: {  	_ =	shalt  }
0x5b: {  	_ =	shalt  }
0x5c: {  	_ =	shalt  }
0x5d: {  	_ =	shalt  }
0x5e: {  	_ =	shalt  }
0x5f: {  	_ =	shalt  }
0x60: {  	_ =	shalt  }
0x61: {  	_ =	shalt  }
0x62: {  	_ =	shalt  }
0x63: {  	_ =	shalt  }
0x64: {  	_ =	shalt  }
0x65: {  	_ =	shalt  }
0x66: {  	_ =	shalt  }
0x67: {  	_ =	shalt  }
0x68: {  	_ =	shalt  }
0x69: {  	_ =	shalt  }
0x6a: {  	_ =	shalt  }
0x6b: {  	_ =	shalt  }
0x6c: {  	_ =	shalt  }
0x6d: {  	_ =	shalt  }
0x6e: {  	_ =	shalt  }
0x6f: {  	_ =	shalt  }
0x70: {  	_ =	shalt  }
0x71: {  	_ =	shalt  }
0x72: {  	_ =	shalt  }
0x73: {  	_ =	shalt  }
0x74: {  	_ =	shalt  }
0x75: {  	_ =	shalt  }
0x76: {  	_ =	shalt  }
0x77: {  	_ =	shalt  }
0x78: {  	_ =	shalt  }
0x79: {  	_ =	shalt  }
0x7a: {  	_ =	shalt  }
0x7b: {  	_ =	shalt  }
0x7c: {  	_ =	shalt  }
0x7d: {  	_ =	shalt  }
0x7e: {  	_ =	shalt  }
0x7f: {  	_ =	shalt  }
0x80: {  	_ =	shalt  }
0x81: {  	_ =	shalt  }
0x82: {  	_ =	shalt  }
0x83: {  	_ =	shalt  }
0x84: {  	_ =	shalt  }
0x85: {  	_ =	shalt  }
0x86: {  	_ =	shalt  }
0x87: {  	_ =	shalt  }
.Lfunc_end0:
.L_simem_size_0:
called_computation_lowered:
.L_overlay_start_0:
0x88: {  	s2 =	sld [smem:$0x3FD9]  }
0x89: {  	s3 =	sld [smem:$0x3FFE];
	_ =	sdelay $0x1  }
0x8a: {  	s1 =	srdreg.scid  }
0x8b: {  	s0 =	sand.u32 $0x1, s1  }
0x8c: {  	s17 =	sshll.u32 s0, $0xA;
	s2 =	sadd.s32 s3, s2  }
0x8d: {  	s2 =	sadd.s32 s2, s17  }
0x8e: {  	[smem:$0x3FC0] =	sst s2  }
0x8f: {  	_ = 	snop  }
0x90: {  	s2 =	sld [smem:$0x3FD0];
	(tm) =	ssettm $0x1  }
0x91: {  	s18 =	sld [smem:$0x3FFB];
	_ =	sdelay $0x3  }
0x92: {  	_ =	strace s18  }
0x93: {  	s3 =	sld [smem:$0x3FFC];
	_ =	sdelay $0x3  }
0x94: {  	_ =	strace s3  }
0x95: {  	s3 =	sld [smem:$0x3FFD];
	_ =	sdelay $0x3  }
0x96: {  	_ =	strace s3  }
0x97: {  	_ =	strace $0x8FFFFFFF  }
0x98: {  	s19 =	sld [smem:$0x3FDB];
	_ =	sdelay $0x1  }
0x99: {  	s4 =	simm.s32 $_scs_section_size  }
0x9a: {  	s5 =	simm.s32 $_size__tile_overlayer_lowered;
	s6 =	simm.s32 $_tile_overlayer_lowered  }
0x9b: {  	s22 =	simm.s32 $0x1BFF;
	s21 =	sshll.u32 s6, $0x1;
	s3 =	sadd.s32 s4, s19  }
0x9c: {  	s7 =	simm.s32 $0x0;
	s20 =	sshll.u32 s5, $0x1;
	s5 =	sadd.s32 s21, s3  }
0x9d: {  	[timem:s7], [sflag:s22] =	dma.local [hbm:s5], s20  }
0x9e: {  	_ =	swait.ge [sflag:s22], s20  }
0x9f: {  	s4 =	ssub.s32 $0x0, s20;
	[sflag:s22] =	ssyncset.done $0x0  }
0xa0: {  	[sflag:s22] =	ssyncadd.s32 s4;
	_ =	sdelay $0x1  }
0xa1: {  	s23 =	simm.s32 $0x1B8B  }
0xa2: {  	_ =	swait.ge [sflag:s23], $0x1  }
0xa3: {  	[sflag:s23] =	ssyncset.done $0x0  }
0xa4: {  	s25 =	simm.s32 $0x1B8E;
	s24 =	sld [smem:$0x3FFE];
	[sflag:s23] =	ssyncadd.s32 $0xFFFFFFFF  }
0xa5: {  	s26 =	simm.s32 $execute0_lowered;
	[smem:$0x3FD2] =	sst s25  }
0xa6: {  	s5 =	sshll.u32 s26, $0x1;
	_ =	strace $0x80000046;
	[dreg:$0x1] =	wrdreg $0xFFFFFFFF  }
0xa7: {  	s28 =	simm.s32 $_size_execute0_lowered;
	s3 =	sadd.s32 s3, s5;
	[dreg:$0x0] =	wrdreg $0x0  }
0xa8: {  	s5 =	sshll.u32 s28, $0x1;
	[dreg:$0x2] =	wrdreg s3  }
0xa9: {  	[dreg:$0x3] =	wrdreg s5  }
0xaa: {  	[dreg:$0x4] =	wrdreg $0xC0  }
0xab: {  	_ =	task [dreg:s7], $0x5FFFF  }
0xac: {  	[dreg:$0x1] =	wrdreg $0xFFFFFFFF  }
0xad: {  	[dreg:$0x0] =	wrdreg $0x60  }
0xae: {  	[dreg:$0x2] =	wrdreg s24  }
0xaf: {  	[dreg:$0x3] =	wrdreg s2  }
0xb0: {  	[dreg:$0x4] =	wrdreg $0xD200  }
0xb1: {  	[dreg:$0x5] =	wrdreg $0x34A00  }
0xb2: {  	[dreg:$0x6] =	wrdreg $0x9  }
0xb3: {  	_ =	task.clear_ibuf [dreg:s7], $0x7FFFF;
	_ =	strace $0x90000046  }
0xb4: {  	s29 =	simm.s32 $0x9;
	_ =	strace $0x80000048  }
0xb5: {  	_ =	swait.ge [sflag:s29], $0x1  }
0xb6: {  	[sflag:s29] =	ssyncadd.s32 $0xFFFFFFFF  }
0xb7: {  	_ =	strace $0x90000048  }
0xb8: {  	_ =	sfence  }
0xb9: {  	s30 =	sld [smem:$0x0];
	_ =	sdelay $0x2  }
0xba: {  	s31 =	sshll.u32 s1, $0xD;
	s1 =	sshrl.u32 s1, $0x2  }
0xbb: {  	s3 =	sand.u32 $0x4000, s31;
	s1 =	sadd.s32 s1, s30  }
0xbc: {  	s0 =	sor.u32 s3, s0;
	s1 =	sshll.u32 s1, $0x11  }
0xbd: {  	s0 =	sor.u32 s1, s0  }
0xbe: {  	s0 =	sadd.s32 $0x8F2B, s0  }
0xbf: {  	[sflag:s0] =	ssyncadd.remote.s32 $0x1  }
0xc0: {  	_ =	sfence.sel $0xFFFF  }
0xc1: {  	[dreg:$0x0] =	wrdreg $0xFFFFFFFF;
	(pc) =	sbr.abs _section_cstart, $3  }
0xc2: {  	[dreg:$0x1] =	wrdreg $0xFFFFFFFF  }
0xc3: {  	_ =	task.clear_ibuf [dreg:s7], $0x2FFFF;
	_ =	strace $0x9FFFFFFF  }
0xc4: {  	(tm) =	ssettm $0x7FFFFFFF  }
0xc5: {  	_ =	shalt  }
tec
execute0_lowered:
.L_overlay_start_1:
0x0: {  	(tag) =	ssettag $0x1  }
0x1: {  	s6 =	rddreg [dreg:$0x0]  }
0x2: {  	s15 =	rddreg [dreg:$0x1]  }
0x3: {  	s2 =	rddreg [dreg:$0x2]  }
0x4: {  	s3 =	rddreg [dreg:$0x3];
	s0 =	stileid.u32  }
0x5: {  	s5 =	srdreg.scid;
	s7 =	smul.u32 $0x2780, s0  }
0x6: {  	s4 =	simm.s32 $0x0;
	s8 =	smul.u32 $0x13C0, s0;
	s12 =	sand.u32 $0x1, s5  }
0x7: {  	[smem:$0x7FF] =	sst s4;
	s13 =	sadd.s32 $0x4E4400, s6;
	s1 =	sadd.s32 $0x9C00, s6  }
0x8: {  	s18 =	sshll.u32 s0, $0x1;
	s21 =	sshll.u32 s0, $0x6;
	s9 =	smul.u32 $0x27800, s12  }
0x9: {  	_ =	strace $0x80000047;
	s11 =	smul.u32 $0x13C00, s12;
	[dreg:$0x5] =	wrdreg s1  }
0xa: {  	s1 =	ssub.s32 $0x2, s12;
	s5 =	sor.u32 s12, s18;
	s28 =	smul.u32 $0x2710, s12  }
0xb: {  	s29 =	sshrl.u32 s7, $0x3;
	s30 =	sshrl.u32 s8, $0x3;
	s22 =	smul.u32 $0x2710, s5  }
0xc: {  	s17 =	sshrl.u32 s1, $0x1;
	s24 =	smul.u32 $0x4E20, s5;
	s20 =	sadd.s32 s8, s3  }
0xd: {  	s10 =	sadd.s32 s29, s6;
	s9 =	sadd.s32 s7, s9;
	s14 =	sadd.s32 s30, s6  }
0xe: {  	s31 =	sadd.s32 s8, s11;
	s17 =	ssub.s32 s1, s17;
	s29 =	smul.u32 $0x4E20, s12  }
0xf: {  	s18 =	sshrl.u32 s20, $0x3;
	s20 =	simm.s32 $0xA00;
	s9 =	sshrl.u32 s9, $0x3  }
0x10: {  	s23 =	sadd.s32 $0x2400, s10;
	s25 =	sshrl.u32 s22, $0x3;
	s26 =	sadd.s32 $0x7400, s14  }
0x11: {  	s10 =	sadd.s32 s13, s24;
	s22 =	smul.u32 $0x9C40, s0;
	s24 =	simm.s32 $0x1  }
0x12: {  	s16 =	sadd.s32 s9, s6;
	s9 =	sshrl.u32 s31, $0x3;
	[dreg:$0x6] =	wrdreg s23  }
0x13: {  	[dreg:$0x7] =	wrdreg s26;
	s23 =	simm.s32 $0x4;
	s19 =	sadd.s32 s9, s6  }
0x14: {  	s6 =	sadd.s32 s7, s2;
	s7 =	sor.u32 $0x1C05, s21;
	s21 =	smul.u32 $0x4E20, s0  }
0x15: {  	s9 =	sadd.s32 s15, s25;
	s11 =	sadd.s32 $0xEE00, s16;
	s30 =	sadd.s32 s22, s13  }
0x16: {  	s13 =	smax.u32 s17, $0x1;
	s17 =	simm.s32 $0x5;
	s22 =	simm.s32 $0x3  }
0x17: {  	s25 =	simm.s32 $0x0;
	s9 =	sadd.s32 $0x9C40, s9;
	s14 =	sadd.s32 s28, s21  }
0x18: {  	s12 =	sadd.s32 $0x9E00, s19;
	s16 =	sadd.s32 s29, s30;
	s14 =	sadd.s32 $0x4E250, s14  }
0x19: {  	s19 =	simm.s32 $0xAA0;
	s21 =	simm.s32 $0x50;
	s31 =	sshrl.u32 s14, $0x3  }
0x1a: {  	s14 =	sadd.s32 $0xA0, s16;
	s16 =	sshrl.u32 s6, $0x3;
	s15 =	sadd.s32 s31, s15  }
.LBB2_1:
0x1b: {  	s0 =	rddreg [dreg:$0x6]  }
0x1c: {  	[spmem:s16], [sflag:s7] =	dma.local [hbm:s0], $0x4F0  }
0x1d: {  	_ =	swait.ge [sflag:s17], $0x4F0  }
0x1e: {  	[sflag:s17] =	ssyncset.done $0x0  }
0x1f: {  	s8 =	rddreg [dreg:$0x7];
	[sflag:s17] =	ssyncadd.s32 $0xFFFFFB10  }
0x20: {  	[spmem:s18], [sflag:s7] =	dma.local [hbm:s8], $0x278  }
0x21: {  	_ =	swait.ge [sflag:s17], $0x278  }
0x22: {  	[sflag:s17] =	ssyncset.done $0x0  }
0x23: {  	s26 =	rddreg [dreg:$0x5];
	[sflag:s17] =	ssyncadd.s32 $0xFFFFFD88  }
0x24: {  	[tilespmem:s19], [sflag:$0x5] =	stream.linear.gather [hbm4b:s26+s4], $0x280, $0x38;
	[tilespmem:$0x4860] =	vst v63  }
0x25: {  	_ =	swait.ge [sflag:s17], $0x280  }
0x26: {  	[sflag:s17] =	ssyncset.done $0x0  }
0x27: {  	[sflag:s17] =	ssyncadd.s32 $0xFFFFFD80  }
0x28: {  	s26 =	sand.u32 $0x1, s4;
	[bflag:$0x0] =	sbarrier.arrive $0xFFFF  }
0x29: {  	[tilespmem:s20], [sflag:$0x1] =	stream.linear.gather [hbm4b:s9+s4], $0x50, $0x38;
	[tilespmem:$0x4860] =	vst v63  }
0x2a: {  	s28 =	sadd.s32 $0x1, s26  }
0x2b: {  	[tilespmem:s4], [sflag:$0x1] =	stream.linear.gather [hbm4b:s10+s4], $0x500, $0x38;
	[tilespmem:$0x4860] =	vst v63  }
0x2c: {  	_ =	swait.ge [sflag:s28], $0x50  }
0x2d: {  	s29 =	sxor.u32 $0x1, s26;
	[sflag:s28] =	ssyncset.done $0x0  }
0x2e: {  	s30 =	smul.u32 $0x140, s29;
	[sflag:s28] =	ssyncadd.s32 $0xFFFFFFB0  }
0x2f: {  	s31 =	smul.u32 $0x1400, s29;
	_ =	swait.ge [sflag:s28], $0x500  }
0x30: {  	s29 =	sadd.s32 $0x1, s29;
	s30 =	sshrl.u32 s30, $0x2;
	[sflag:s28] =	ssyncset.done $0x0  }
0x31: {  	s30 =	sor.u32 $0xA00, s30;
	[sflag:s28] =	ssyncadd.s32 $0xFFFFFB00;
	s28 =	smul.u32 $0x140, s26  }
0x32: {  	[tilespmem:s30], [sflag:s29] =	stream.linear.gather [hbm4b:s15+s4], $0x50, $0x38;
	[tilespmem:$0x4860] =	vst v63  }
0x33: {  	s26 =	smul.u32 $0x1400, s26;
	s30 =	sshrl.u32 s31, $0x2;
	s28 =	sshrl.u32 s28, $0x2  }
0x34: {  	[tilespmem:s30], [sflag:s29] =	stream.linear.gather [hbm4b:s14+s4], $0x500, $0x38;
	[tilespmem:$0x4860] =	vst v63  }
0x35: {  	s26 =	sshrl.u32 s26, $0x2;
	s28 =	sor.u32 $0xA00, s28  }
0x36: {  	[spmem:s2] =	stream.indirect.scatter.add.f32 [tilespmem:s26], [sflag:$0x3], $0x10, s28, s21, $0xb8;
	[tilespmem:$0x4860] =	vst v63  }
0x37: {  	_ = 	snop  }
0x38: {  	[spmem:s3] =	stream.indirect.scatter.add.f32 [tilespmem:s19], [sflag:$0x4], $0x8, s28, s21, $0xb8;
	[tilespmem:$0x4860] =	vst v63  }
0x39: {  	_ =	swait.ge [sflag:s22], $0x500  }
0x3a: {  	[sflag:s22] =	ssyncset.done $0x0  }
0x3b: {  	s31 =	simm.s32 $0x1;
	[sflag:s22] =	ssyncadd.s32 $0xFFFFFB00  }
0x3c: {  	s30 =	simm.s32 $0x2;
	s29 =	sand.u32 $0x1, s31;
	_ =	swait.ge [sflag:s23], $0x280  }
0x3d: {  	s26 =	sadd.s32 $0xA0, s14;
	s28 =	sadd.s32 $0xA, s15;
	[sflag:s23] =	ssyncset.done $0x0  }
.LBB2_2:
0x3e: {  	s31 =	sadd.s32 $0x1, s29  }
0x3f: {  	[sflag:s23] =	ssyncadd.s32 $0xFFFFFD80;
	s0 =	smov.u32 s30;
	s1 =	sadd.s32 $0x1, s30  }
0x40: {  	p0 =	sne.s32 s30, $0x7B;
	_ =	swait.ge [sflag:s31], $0x50  }
0x41: {  	s30 =	sxor.u32 $0x1, s29;
	[sflag:s31] =	ssyncset.done $0x0  }
0x42: {  	s5 =	smul.u32 $0x140, s30;
	[sflag:s31] =	ssyncadd.s32 $0xFFFFFFB0  }
0x43: {  	s6 =	smul.u32 $0x1400, s30;
	_ =	swait.ge [sflag:s31], $0x500  }
0x44: {  	s8 =	smul.u32 $0x140, s29;
	s5 =	sshrl.u32 s5, $0x2;
	[sflag:s31] =	ssyncset.done $0x0  }
0x45: {  	s30 =	sadd.s32 $0x1, s30;
	s5 =	sor.u32 $0xA00, s5;
	[sflag:s31] =	ssyncadd.s32 $0xFFFFFB00  }
0x46: {  	[tilespmem:s5], [sflag:s30] =	stream.linear.gather [hbm4b:s28+s4], $0x50, $0x38;
	[tilespmem:$0x4860] =	vst v63  }
0x47: {  	s6 =	sshrl.u32 s6, $0x2;
	s5 =	sshrl.u32 s8, $0x2;
	s8 =	smul.u32 $0x1400, s29  }
0x48: {  	[tilespmem:s6], [sflag:s30] =	stream.linear.gather [hbm4b:s26+s4], $0x500, $0x38;
	[tilespmem:$0x4860] =	vst v63  }
0x49: {  	s5 =	sor.u32 $0xA00, s5;
	s6 =	sshrl.u32 s8, $0x2  }
0x4a: {  	[spmem:s2] =	stream.indirect.scatter.add.f32 [tilespmem:s6], [sflag:$0x3], $0x10, s5, s21, $0xb8;
	[tilespmem:$0x4860] =	vst v63  }
0x4b: {  	_ = 	snop  }
0x4c: {  	[spmem:s3] =	stream.indirect.scatter.add.f32 [tilespmem:s19], [sflag:$0x4], $0x8, s5, s21, $0xb8;
	[tilespmem:$0x4860] =	vst v63  }
.Ltmp0:
0x4d: {  	_ =	swait.ge [sflag:s22], $0x500;
	(pc) =	sbr.rel @p0 .LBB2_2-.Ltmp0, $4  }
0x4e: {  	[sflag:s22] =	ssyncset.done $0x0  }
0x4f: {  	[sflag:s22] =	ssyncadd.s32 $0xFFFFFB00  }
0x50: {  	s28 =	sadd.s32 $0xA, s28;
	s29 =	sand.u32 $0x1, s0;
	_ =	swait.ge [sflag:s23], $0x280  }
0x51: {  	s26 =	sadd.s32 $0xA0, s26;
	s30 =	smov.u32 s1;
	[sflag:s23] =	ssyncset.done $0x0  }
0x52: {  	s0 =	sadd.s32 $0x1, s29;
	[sflag:s23] =	ssyncadd.s32 $0xFFFFFD80  }
0x53: {  	_ =	swait.ge [sflag:s0], $0x50  }
0x54: {  	s1 =	sxor.u32 $0x1, s29;
	[sflag:s0] =	ssyncset.done $0x0  }
0x55: {  	s5 =	smul.u32 $0x140, s1;
	[sflag:s0] =	ssyncadd.s32 $0xFFFFFFB0  }
0x56: {  	s8 =	smul.u32 $0x140, s29;
	_ =	swait.ge [sflag:s0], $0x500  }
0x57: {  	s6 =	smul.u32 $0x1400, s1;
	s5 =	sshrl.u32 s5, $0x2;
	[sflag:s0] =	ssyncset.done $0x0  }
0x58: {  	s31 =	sadd.s32 $0x1, s1;
	s5 =	sor.u32 $0xA00, s5;
	[sflag:s0] =	ssyncadd.s32 $0xFFFFFB00  }
0x59: {  	[tilespmem:s5], [sflag:s31] =	stream.linear.gather [hbm4b:s28+s4], $0x50, $0x38;
	[tilespmem:$0x4860] =	vst v63  }
0x5a: {  	s29 =	smul.u32 $0x1400, s29;
	s6 =	sshrl.u32 s6, $0x2;
	s28 =	sshrl.u32 s8, $0x2  }
0x5b: {  	[tilespmem:s6], [sflag:s31] =	stream.linear.gather [hbm4b:s26+s4], $0x500, $0x38;
	[tilespmem:$0x4860] =	vst v63  }
0x5c: {  	s30 =	sor.u32 $0xA00, s28;
	s31 =	sshrl.u32 s29, $0x2  }
0x5d: {  	[spmem:s2] =	stream.indirect.scatter.add.f32 [tilespmem:s31], [sflag:$0x3], $0x10, s30, s21, $0xb8;
	[tilespmem:$0x4860] =	vst v63  }
0x5e: {  	_ = 	snop  }
0x5f: {  	[spmem:s3] =	stream.indirect.scatter.add.f32 [tilespmem:s19], [sflag:$0x4], $0x8, s30, s21, $0xb8;
	[tilespmem:$0x4860] =	vst v63  }
0x60: {  	_ =	swait.ge [sflag:s22], $0x500  }
0x61: {  	[sflag:s22] =	ssyncset.done $0x0  }
0x62: {  	[sflag:s22] =	ssyncadd.s32 $0xFFFFFB00  }
0x63: {  	_ =	swait.ge [sflag:s23], $0x280  }
0x64: {  	[sflag:s23] =	ssyncset.done $0x0  }
0x65: {  	[sflag:s23] =	ssyncadd.s32 $0xFFFFFD80  }
0x66: {  	_ =	swait.ge [sflag:s24], $0x50  }
0x67: {  	[sflag:s24] =	ssyncset.done $0x0  }
0x68: {  	[sflag:s24] =	ssyncadd.s32 $0xFFFFFFB0  }
0x69: {  	_ =	swait.ge [sflag:s24], $0x500  }
0x6a: {  	[sflag:s24] =	ssyncset.done $0x0  }
0x6b: {  	[sflag:s24] =	ssyncadd.s32 $0xFFFFFB00  }
0x6c: {  	[spmem:s2] =	stream.indirect.scatter.add.f32 [tilespmem:s4], [sflag:$0x3], $0x10, s20, s21, $0xb8;
	[tilespmem:$0x4860] =	vst v63  }
0x6d: {  	_ = 	snop  }
0x6e: {  	[spmem:s3] =	stream.indirect.scatter.add.f32 [tilespmem:s19], [sflag:$0x4], $0x8, s20, s21, $0xb8;
	[tilespmem:$0x4860] =	vst v63  }
0x6f: {  	_ =	swait.ge [sflag:s22], $0x500  }
0x70: {  	[sflag:s22] =	ssyncset.done $0x0  }
0x71: {  	[sflag:s22] =	ssyncadd.s32 $0xFFFFFB00  }
0x72: {  	_ =	swait.ge [sflag:s23], $0x280  }
0x73: {  	[sflag:s23] =	ssyncset.done $0x0  }
0x74: {  	[sflag:s23] =	ssyncadd.s32 $0xFFFFFD80  }
0x75: {  	[bflag:$0x0] =	sbarrier.arrive $0xFFFF  }
0x76: {  	[hbm:s11], [sflag:s7] =	dma.local [spmem:s16], $0x4F0  }
0x77: {  	s25 =	sadd.s32 $0x1, s25;
	_ =	swait.ge [sflag:s17], $0x4F0  }
0x78: {  	p0 =	sne.s32 s25, s13;
	[sflag:s17] =	ssyncset.done $0x0  }
.Ltmp1:
0x79: {  	[sflag:s17] =	ssyncadd.s32 $0xFFFFFB10;
	(pc) =	sbr.rel @p0 .LBB2_1-.Ltmp1, $4  }
0x7a: {  	[hbm:s12], [sflag:s7] =	dma.local [spmem:s18], $0x278  }
0x7b: {  	_ =	swait.ge [sflag:s17], $0x278  }
0x7c: {  	[sflag:s17] =	ssyncset.done $0x0  }
0x7d: {  	[sflag:s17] =	ssyncadd.s32 $0xFFFFFD88  }
0x7e: {  	_ =	sfence.sel $0x180000  }
0x7f: {  	[bflag:$0x0] =	sbarrier.arrive $0xFFFF  }
0x80: {  	_ =	strace $0x90000047  }
0x81: {  	s0 =	stileid.u32;
	[bflag:$0x2] =	sbarrier.arrive $0xFFFF  }
0x82: {  	p0 =	sne.s32 s0, $0x0;
	s0 =	rddreg [dreg:$0x4]  }
0x83: {  	s0 =	sadd.s32 @!p0 $0x100000, s0  }
0x84: {  	[sflag:s0] =	ssyncadd.tile.s32 @!p0 $0x1;
	_ =	shalt  }
.Lfunc_end2:
_tile_overlayer_lowered:
.L_overlay_start_2:
0x85: {  	(tag) =	ssettag $0x2  }
0x86: {  	s0 =	rddreg [dreg:$0x0];
	s2 =	stileid.u32  }
0x87: {  	s1 =	rddreg [dreg:$0x1];
	p0 =	sne.s32 s2, $0x0  }
0x88: {  	s3 =	rddreg [dreg:$0x2];
	[bflag:$0x3] =	sbarrier.arrive $0xFFFF;
	s2 =	simm.s32 @!p0 $0x1C05  }
0x89: {  	[timem:s3], [sflag:s2] =	dma.local @!p0 [hbm:s0], s1  }
0x8a: {  	s0 =	simm.s32 @!p0 $0x5  }
0x8b: {  	_ =	swait.ge @!p0 [sflag:s0], s1  }
0x8c: {  	s1 =	ssub.s32 @!p0 $0x0, s1;
	[sflag:s0] =	ssyncset.done @!p0 $0x0  }
0x8d: {  	[sflag:s0] =	ssyncadd.s32 @!p0 s1  }
0x8e: {  	[bflag:$0x3] =	sbarrier.arrive $0xFFFF  }
0x8f: {  	_ =	shalt  }

</sc_bundles>
